<compile_context>
chip_gen: v7x
topology: tpu7x:2x2x1
jax: 0.10.2.dev20260603
libtpu: 0.0.44.dev20260713+nightly
codegen_flags: <defaults>
</compile_context>

<pallas_src>
import functools

import jax
import jax.numpy as jnp
from jax import lax
from jax.experimental import pallas as pl
from jax.experimental.pallas import tpu as pltpu
from jax.experimental.pallas import tpu_sc as plsc

D_MODEL = 64
NUM_DAYS = 7
NUM_PAIRS = NUM_DAYS * NUM_DAYS
BATCH = 16384
HALF = BATCH // 2
BLK = 4096


@functools.cache
def _build_gather():
    info = plsc.get_sparse_core_info()
    num_cores, num_subcores = info.num_cores, info.num_subcores
    num_workers = num_cores * num_subcores
    p_per_w = HALF // num_workers
    w_per_blk = BLK // p_per_w
    mesh = plsc.VectorSubcoreMesh(core_axis_name="c", subcore_axis_name="s")

    @functools.partial(
        pl.kernel,
        mesh=mesh,
        out_type=jax.ShapeDtypeStruct((HALF, 2 * D_MODEL), jnp.float32),
        scratch_types=[
            pltpu.VMEM((p_per_w,), jnp.int32),
            pltpu.VMEM((p_per_w,), jnp.int32),
            pltpu.VMEM((p_per_w,), jnp.int32),
            pltpu.VMEM((p_per_w, 2 * D_MODEL), jnp.float32),
            pltpu.VMEM_SHARED((NUM_PAIRS, 2 * D_MODEL), jnp.float32),
            pltpu.SemaphoreType.DMA,
            pltpu.SemaphoreType.DMA,
            pltpu.SemaphoreType.DMA,
            pltpu.SemaphoreType.DMA,
            pltpu.SemaphoreType.DMA,
        ],
    )
    def gather_kernel(idx_hbm, table2_hbm, out_hbm, ev_v, od_v, pidx_v, rows_v,
                      table2_spm, sem_t, sem_e, sem_o, sem_g0, sem_g1):
        wid = lax.axis_index("s") * num_cores + lax.axis_index("c")
        half = p_per_w // 2

        @pl.when(lax.axis_index("s") == 0)
        def _():
            pltpu.async_copy(table2_hbm, table2_spm, sem_t)

        e_base = (wid // w_per_blk) * (2 * BLK) + (wid % w_per_blk) * p_per_w
        e_cp = pltpu.async_copy(idx_hbm.at[pl.ds(e_base, p_per_w)], ev_v, sem_e)
        o_cp = pltpu.async_copy(
            idx_hbm.at[pl.ds(e_base + BLK, p_per_w)], od_v, sem_o)
        e_cp.wait()
        o_cp.wait()
        for k in range(p_per_w // 16):
            sl = pl.ds(k * 16, 16)
            pidx_v[sl] = ev_v[sl] * NUM_DAYS + od_v[sl]

        @pl.when(lax.axis_index("s") == 0)
        def _():
            pltpu.make_async_copy(table2_hbm, table2_spm, sem_t).wait()

        plsc.subcore_barrier()
        g0 = pltpu.async_copy(
            table2_spm.at[pidx_v.at[pl.ds(0, half)]],
            rows_v.at[pl.ds(0, half)], sem_g0)
        g1 = pltpu.async_copy(
            table2_spm.at[pidx_v.at[pl.ds(half, half)]],
            rows_v.at[pl.ds(half, half)], sem_g1)
        base_o = wid * p_per_w
        g0.wait()
        w0 = pltpu.async_copy(
            rows_v.at[pl.ds(0, half)], out_hbm.at[pl.ds(base_o, half)], sem_e)
        g1.wait()
        w1 = pltpu.async_copy(
            rows_v.at[pl.ds(half, half)],
            out_hbm.at[pl.ds(base_o + half, half)], sem_o)
        w0.wait()
        w1.wait()

    return gather_kernel


def _transpose_body(x_ref, y_ref):
    h = BLK // 2
    t0 = jnp.swapaxes(x_ref[:h, :], 0, 1)
    t1 = jnp.swapaxes(x_ref[h:, :], 0, 1)
    y_ref[:, 0:h] = t0[:D_MODEL]
    y_ref[:, h:BLK] = t1[:D_MODEL]
    y_ref[:, BLK:BLK + h] = t0[D_MODEL:]
    y_ref[:, BLK + h:] = t1[D_MODEL:]


@functools.cache
def _build_transpose():
    n_blk = HALF // BLK
    return pl.pallas_call(
        _transpose_body,
        grid=(n_blk,),
        in_specs=[pl.BlockSpec((BLK, 2 * D_MODEL), lambda k: (k, 0))],
        out_specs=pl.BlockSpec((D_MODEL, 2 * BLK), lambda k: (0, k)),
        out_shape=jax.ShapeDtypeStruct((D_MODEL, BATCH), jnp.float32),
    )


def kernel(day_indices, table):
    table2 = jnp.concatenate(
        [jnp.repeat(table, NUM_DAYS, axis=0), jnp.tile(table, (NUM_DAYS, 1))],
        axis=1,
    )
    pairs = _build_gather()(day_indices.astype(jnp.int32), table2)
    y = _build_transpose()(pairs)
    return jnp.transpose(y)

# --- scband reference (transcript-rebuilt; emitter-appended) ---
"""Pipeline reference for scband-day-of-week-encoding-8890582303474 (READ-ONLY COPY).

The authoritative reference and input builder live on the scoring server;
editing this copy changes nothing except your own understanding.
"""

import jax, jax.numpy as jnp
import numpy as np

D_MODEL = 64
NUM_DAYS = 7
BATCH = 16384


def setup_inputs(seed: int = 0) -> dict:
    key = jax.random.key(seed)
    k_idx, k_tab = jax.random.split(key)
    day_indices = jax.random.randint(k_idx, (BATCH,), 0, NUM_DAYS, dtype=jnp.int64 if jax.config.jax_enable_x64 else jnp.int32)
    # nn.Embedding default init: N(0, 1)
    table = jax.random.normal(k_tab, (NUM_DAYS, D_MODEL), dtype=jnp.float32)
    return {"day_indices": day_indices, "table": table}


def reference(day_indices, table):
    # Faithful translation of nn.Embedding lookup: table[day_indices]
    return jnp.take(table, day_indices, axis=0)

if __name__ == "__main__":
    import jax
    _d = setup_inputs()
    print(jax.jit(kernel)(*tuple(_d.values())))

</pallas_src>

<mosaic_0001>
#map = affine_map<(d0, d1) -> (0)>
#map1 = affine_map<(d0, d1) -> (0, 0)>
module attributes {stable_mosaic.version = 14 : i64} {
  func.func @gather_kernel(%arg0: i32, %arg1: i32, %arg2: memref<16384xi32, #tpu.memory_space<hbm>>, %arg3: memref<49x128xf32, #tpu.memory_space<hbm>>, %arg4: memref<8192x128xf32, #tpu.memory_space<hbm>>, %arg5: memref<256xi32, #tpu.memory_space<vmem>>, %arg6: memref<256xi32, #tpu.memory_space<vmem>>, %arg7: memref<256xi32, #tpu.memory_space<vmem>>, %arg8: memref<256x128xf32, #tpu.memory_space<vmem>>, %arg9: memref<49x128xf32, #tpu.memory_space<vmem_shared>>, %arg10: memref<!tpu.dma_semaphore, #tpu.memory_space<semaphore_mem>>, %arg11: memref<!tpu.dma_semaphore, #tpu.memory_space<semaphore_mem>>, %arg12: memref<!tpu.dma_semaphore, #tpu.memory_space<semaphore_mem>>, %arg13: memref<!tpu.dma_semaphore, #tpu.memory_space<semaphore_mem>>, %arg14: memref<!tpu.dma_semaphore, #tpu.memory_space<semaphore_mem>>) attributes {dimension_semantics = [#tpu.dimension_semantics<core_parallel>, #tpu.dimension_semantics<subcore_parallel>], iteration_bounds = array<i64: 2, 16>, scalar_prefetch = 0 : i64, scratch_operands = 10 : i64, tpu.core_type = #tpu.core_type<sc_vector_subcore>, window_params = [{transform_indices = #map}, {transform_indices = #map1}, {transform_indices = #map1}]} {
    %mul3A = arith.constant 2 : i32
    %mul3A_0 = arith.muli %arg1, %mul3A : i32
    %add3A = arith.addi %mul3A_0, %arg0 : i32
    %eq3A = arith.constant 0 : i32
    %eq3A_1 = arith.cmpi eq, %arg1, %eq3A : i32
    %convert_element_type3A = arith.extui %eq3A_1 : i1 to i32
    %cond3A = arith.constant 0 : i32
    %cond3A_2 = arith.cmpi ne, %convert_element_type3A, %cond3A : i32
    scf.if %cond3A_2 {
      tpu.enqueue_dma source(%arg3 : memref<49x128xf32, #tpu.memory_space<hbm>>) target(%arg9 : memref<49x128xf32, #tpu.memory_space<vmem_shared>>) target_semaphore(%arg10 : memref<!tpu.dma_semaphore, #tpu.memory_space<semaphore_mem>>)
    } else {
    }
    %jit3A = arith.constant 16 : i32
    %div3A = arith.divsi %add3A, %jit3A : i32
    %sign3A = arith.constant 0 : i32
    %sign3A_3 = arith.cmpi sgt, %add3A, %sign3A : i32
    %sign3A_4 = arith.extui %sign3A_3 : i1 to i32
    %sign3A_5 = arith.constant 0 : i32
    %sign3A_6 = arith.cmpi slt, %add3A, %sign3A_5 : i32
    %sign3A_7 = arith.extui %sign3A_6 : i1 to i32
    %sign3A_8 = arith.subi %sign3A_4, %sign3A_7 : i32
    %sign3A_9 = arith.constant 0 : i32
    %sign3A_10 = arith.cmpi sgt, %jit3A, %sign3A_9 : i32
    %sign3A_11 = arith.extui %sign3A_10 : i1 to i32
    %sign3A_12 = arith.constant 0 : i32
    %sign3A_13 = arith.cmpi slt, %jit3A, %sign3A_12 : i32
    %sign3A_14 = arith.extui %sign3A_13 : i1 to i32
    %sign3A_15 = arith.subi %sign3A_11, %sign3A_14 : i32
    %ne3A = arith.cmpi ne, %sign3A_8, %sign3A_15 : i32
    %rem3A = arith.remsi %add3A, %jit3A : i32
    %ne3A_16 = arith.constant 0 : i32
    %ne3A_17 = arith.cmpi ne, %rem3A, %ne3A_16 : i32
    %and3A = arith.andi %ne3A, %ne3A_17 : i1
    %sub3A = arith.constant 1 : i32
    %sub3A_18 = arith.subi %div3A, %sub3A : i32
    %select_n3A = arith.select %and3A, %sub3A_18, %div3A : i32
    %mul3A_19 = arith.constant 8192 : i32
    %mul3A_20 = arith.muli %select_n3A, %mul3A_19 : i32
    %jit3A_21 = arith.constant 16 : i32
    %eq3A_22 = arith.constant 0 : i32
    %eq3A_23 = arith.cmpi eq, %jit3A_21, %eq3A_22 : i32
    %jit3A_24 = arith.constant 1 : i32
    %select_n3A_25 = arith.select %eq3A_23, %jit3A_24, %jit3A_21 : i32
    %rem3A_26 = arith.remsi %add3A, %select_n3A_25 : i32
    %ne3A_27 = arith.constant 0 : i32
    %ne3A_28 = arith.cmpi ne, %rem3A_26, %ne3A_27 : i32
    %lt3A = arith.constant 0 : i32
    %lt3A_29 = arith.cmpi slt, %rem3A_26, %lt3A : i32
    %lt3A_30 = arith.constant 0 : i32
    %lt3A_31 = arith.cmpi slt, %select_n3A_25, %lt3A_30 : i32
    %ne3A_32 = arith.xori %lt3A_29, %lt3A_31 : i1
    %and3A_33 = arith.andi %ne3A_32, %ne3A_28 : i1
    %add3A_34 = arith.addi %rem3A_26, %select_n3A_25 : i32
    %select_n3A_35 = arith.select %and3A_33, %add3A_34, %rem3A_26 : i32
    %mul3A_36 = arith.constant 256 : i32
    %mul3A_37 = arith.muli %select_n3A_35, %mul3A_36 : i32
    %add3A_38 = arith.addi %mul3A_20, %mul3A_37 : i32
    %dma_start3A = tpu.memref_slice %arg2[%add3A_38] : memref<16384xi32, #tpu.memory_space<hbm>> -> memref<256xi32, #tpu.memory_space<hbm>>
    %dma_start3A_39 = tpu.memref_slice %arg2[%add3A_38] : memref<16384xi32, #tpu.memory_space<hbm>> -> memref<256xi32, #tpu.memory_space<hbm>>
    tpu.enqueue_dma source(%dma_start3A_39 : memref<256xi32, #tpu.memory_space<hbm>>) target(%arg5 : memref<256xi32, #tpu.memory_space<vmem>>) target_semaphore(%arg11 : memref<!tpu.dma_semaphore, #tpu.memory_space<semaphore_mem>>)
    %add3A_40 = arith.constant 4096 : i32
    %add3A_41 = arith.addi %add3A_38, %add3A_40 : i32
    %dma_start3A_42 = tpu.memref_slice %arg2[%add3A_41] : memref<16384xi32, #tpu.memory_space<hbm>> -> memref<256xi32, #tpu.memory_space<hbm>>
    %dma_start3A_43 = tpu.memref_slice %arg2[%add3A_41] : memref<16384xi32, #tpu.memory_space<hbm>> -> memref<256xi32, #tpu.memory_space<hbm>>
    tpu.enqueue_dma source(%dma_start3A_43 : memref<256xi32, #tpu.memory_space<hbm>>) target(%arg6 : memref<256xi32, #tpu.memory_space<vmem>>) target_semaphore(%arg12 : memref<!tpu.dma_semaphore, #tpu.memory_space<semaphore_mem>>)
    %dma_wait3A = tpu.memref_slice %arg2[%add3A_38] : memref<16384xi32, #tpu.memory_space<hbm>> -> memref<256xi32, #tpu.memory_space<hbm>>
    %dma_wait3A_44 = tpu.memref_slice %arg2[%add3A_38] : memref<16384xi32, #tpu.memory_space<hbm>> -> memref<256xi32, #tpu.memory_space<hbm>>
    tpu.wait_dma2 semaphore(%arg11 : memref<!tpu.dma_semaphore, #tpu.memory_space<semaphore_mem>>) src(%dma_wait3A_44 : memref<256xi32, #tpu.memory_space<hbm>>) dst(%arg5 : memref<256xi32, #tpu.memory_space<vmem>>)
    %dma_wait3A_45 = tpu.memref_slice %arg2[%add3A_41] : memref<16384xi32, #tpu.memory_space<hbm>> -> memref<256xi32, #tpu.memory_space<hbm>>
    %dma_wait3A_46 = tpu.memref_slice %arg2[%add3A_41] : memref<16384xi32, #tpu.memory_space<hbm>> -> memref<256xi32, #tpu.memory_space<hbm>>
    tpu.wait_dma2 semaphore(%arg12 : memref<!tpu.dma_semaphore, #tpu.memory_space<semaphore_mem>>) src(%dma_wait3A_46 : memref<256xi32, #tpu.memory_space<hbm>>) dst(%arg6 : memref<256xi32, #tpu.memory_space<vmem>>)
    %get3A = arith.constant 0 : index
    %get3A_47 = tpu.vector_load %arg5[%get3A] {strides = array<i32>} : memref<256xi32, #tpu.memory_space<vmem>>, vector<16xi32>,
    %get3A_48 = vector.shape_cast %get3A_47 : vector<16xi32> to vector<16xi32>
    %mul3A_49 = arith.constant 7 : i32
    %mul3A_50 = vector.broadcast %mul3A_49 : i32 to vector<16xi32>
    %mul3A_51 = arith.muli %get3A_48, %mul3A_50 : vector<16xi32>
    %get3A_52 = arith.constant 0 : index
    %get3A_53 = tpu.vector_load %arg6[%get3A_52] {strides = array<i32>} : memref<256xi32, #tpu.memory_space<vmem>>, vector<16xi32>,
    %get3A_54 = vector.shape_cast %get3A_53 : vector<16xi32> to vector<16xi32>
    %add3A_55 = arith.addi %mul3A_51, %get3A_54 : vector<16xi32>
    %swap3A = arith.constant 0 : index
    %swap3A_56 = tpu.vector_load %arg7[%swap3A] {strides = array<i32>} : memref<256xi32, #tpu.memory_space<vmem>>, vector<16xi32>,
    %swap3A_57 = vector.shape_cast %swap3A_56 : vector<16xi32> to vector<16xi32>
    %swap3A_58 = vector.shape_cast %add3A_55 : vector<16xi32> to vector<16xi32>
    tpu.vector_store %arg7[%swap3A], %swap3A_58 {strides = array<i32>} : memref<256xi32, #tpu.memory_space<vmem>>, vector<16xi32>,
    %get3A_59 = arith.constant 16 : index
    %get3A_60 = tpu.vector_load %arg5[%get3A_59] {strides = array<i32>} : memref<256xi32, #tpu.memory_space<vmem>>, vector<16xi32>,
    %get3A_61 = vector.shape_cast %get3A_60 : vector<16xi32> to vector<16xi32>
    %mul3A_62 = arith.constant 7 : i32
    %mul3A_63 = vector.broadcast %mul3A_62 : i32 to vector<16xi32>
    %mul3A_64 = arith.muli %get3A_61, %mul3A_63 : vector<16xi32>
    %get3A_65 = arith.constant 16 : index
    %get3A_66 = tpu.vector_load %arg6[%get3A_65] {strides = array<i32>} : memref<256xi32, #tpu.memory_space<vmem>>, vector<16xi32>,
    %get3A_67 = vector.shape_cast %get3A_66 : vector<16xi32> to vector<16xi32>
    %add3A_68 = arith.addi %mul3A_64, %get3A_67 : vector<16xi32>
    %swap3A_69 = arith.constant 16 : index
    %swap3A_70 = tpu.vector_load %arg7[%swap3A_69] {strides = array<i32>} : memref<256xi32, #tpu.memory_space<vmem>>, vector<16xi32>,
    %swap3A_71 = vector.shape_cast %swap3A_70 : vector<16xi32> to vector<16xi32>
    %swap3A_72 = vector.shape_cast %add3A_68 : vector<16xi32> to vector<16xi32>
    tpu.vector_store %arg7[%swap3A_69], %swap3A_72 {strides = array<i32>} : memref<256xi32, #tpu.memory_space<vmem>>, vector<16xi32>,
    %get3A_73 = arith.constant 32 : index
    %get3A_74 = tpu.vector_load %arg5[%get3A_73] {strides = array<i32>} : memref<256xi32, #tpu.memory_space<vmem>>, vector<16xi32>,
    %get3A_75 = vector.shape_cast %get3A_74 : vector<16xi32> to vector<16xi32>
    %mul3A_76 = arith.constant 7 : i32
    %mul3A_77 = vector.broadcast %mul3A_76 : i32 to vector<16xi32>
    %mul3A_78 = arith.muli %get3A_75, %mul3A_77 : vector<16xi32>
    %get3A_79 = arith.constant 32 : index
    %get3A_80 = tpu.vector_load %arg6[%get3A_79] {strides = array<i32>} : memref<256xi32, #tpu.memory_space<vmem>>, vector<16xi32>,
    %get3A_81 = vector.shape_cast %get3A_80 : vector<16xi32> to vector<16xi32>
    %add3A_82 = arith.addi %mul3A_78, %get3A_81 : vector<16xi32>
    %swap3A_83 = arith.constant 32 : index
    %swap3A_84 = tpu.vector_load %arg7[%swap3A_83] {strides = array<i32>} : memref<256xi32, #tpu.memory_space<vmem>>, vector<16xi32>,
    %swap3A_85 = vector.shape_cast %swap3A_84 : vector<16xi32> to vector<16xi32>
    %swap3A_86 = vector.shape_cast %add3A_82 : vector<16xi32> to vector<16xi32>
    tpu.vector_store %arg7[%swap3A_83], %swap3A_86 {strides = array<i32>} : memref<256xi32, #tpu.memory_space<vmem>>, vector<16xi32>,
    %get3A_87 = arith.constant 48 : index
    %get3A_88 = tpu.vector_load %arg5[%get3A_87] {strides = array<i32>} : memref<256xi32, #tpu.memory_space<vmem>>, vector<16xi32>,
    %get3A_89 = vector.shape_cast %get3A_88 : vector<16xi32> to vector<16xi32>
    %mul3A_90 = arith.constant 7 : i32
    %mul3A_91 = vector.broadcast %mul3A_90 : i32 to vector<16xi32>
    %mul3A_92 = arith.muli %get3A_89, %mul3A_91 : vector<16xi32>
    %get3A_93 = arith.constant 48 : index
    %get3A_94 = tpu.vector_load %arg6[%get3A_93] {strides = array<i32>} : memref<256xi32, #tpu.memory_space<vmem>>, vector<16xi32>,
    %get3A_95 = vector.shape_cast %get3A_94 : vector<16xi32> to vector<16xi32>
    %add3A_96 = arith.addi %mul3A_92, %get3A_95 : vector<16xi32>
    %swap3A_97 = arith.constant 48 : index
    %swap3A_98 = tpu.vector_load %arg7[%swap3A_97] {strides = array<i32>} : memref<256xi32, #tpu.memory_space<vmem>>, vector<16xi32>,
    %swap3A_99 = vector.shape_cast %swap3A_98 : vector<16xi32> to vector<16xi32>
    %swap3A_100 = vector.shape_cast %add3A_96 : vector<16xi32> to vector<16xi32>
    tpu.vector_store %arg7[%swap3A_97], %swap3A_100 {strides = array<i32>} : memref<256xi32, #tpu.memory_space<vmem>>, vector<16xi32>,
    %get3A_101 = arith.constant 64 : index
    %get3A_102 = tpu.vector_load %arg5[%get3A_101] {strides = array<i32>} : memref<256xi32, #tpu.memory_space<vmem>>, vector<16xi32>,
    %get3A_103 = vector.shape_cast %get3A_102 : vector<16xi32> to vector<16xi32>
    %mul3A_104 = arith.constant 7 : i32
    %mul3A_105 = vector.broadcast %mul3A_104 : i32 to vector<16xi32>
    %mul3A_106 = arith.muli %get3A_103, %mul3A_105 : vector<16xi32>
    %get3A_107 = arith.constant 64 : index
    %get3A_108 = tpu.vector_load %arg6[%get3A_107] {strides = array<i32>} : memref<256xi32, #tpu.memory_space<vmem>>, vector<16xi32>,
    %get3A_109 = vector.shape_cast %get3A_108 : vector<16xi32> to vector<16xi32>
    %add3A_110 = arith.addi %mul3A_106, %get3A_109 : vector<16xi32>
    %swap3A_111 = arith.constant 64 : index
    %swap3A_112 = tpu.vector_load %arg7[%swap3A_111] {strides = array<i32>} : memref<256xi32, #tpu.memory_space<vmem>>, vector<16xi32>,
    %swap3A_113 = vector.shape_cast %swap3A_112 : vector<16xi32> to vector<16xi32>
    %swap3A_114 = vector.shape_cast %add3A_110 : vector<16xi32> to vector<16xi32>
    tpu.vector_store %arg7[%swap3A_111], %swap3A_114 {strides = array<i32>} : memref<256xi32, #tpu.memory_space<vmem>>, vector<16xi32>,
    %get3A_115 = arith.constant 80 : index
    %get3A_116 = tpu.vector_load %arg5[%get3A_115] {strides = array<i32>} : memref<256xi32, #tpu.memory_space<vmem>>, vector<16xi32>,
    %get3A_117 = vector.shape_cast %get3A_116 : vector<16xi32> to vector<16xi32>
    %mul3A_118 = arith.constant 7 : i32
    %mul3A_119 = vector.broadcast %mul3A_118 : i32 to vector<16xi32>
    %mul3A_120 = arith.muli %get3A_117, %mul3A_119 : vector<16xi32>
    %get3A_121 = arith.constant 80 : index
    %get3A_122 = tpu.vector_load %arg6[%get3A_121] {strides = array<i32>} : memref<256xi32, #tpu.memory_space<vmem>>, vector<16xi32>,
    %get3A_123 = vector.shape_cast %get3A_122 : vector<16xi32> to vector<16xi32>
    %add3A_124 = arith.addi %mul3A_120, %get3A_123 : vector<16xi32>
    %swap3A_125 = arith.constant 80 : index
    %swap3A_126 = tpu.vector_load %arg7[%swap3A_125] {strides = array<i32>} : memref<256xi32, #tpu.memory_space<vmem>>, vector<16xi32>,
    %swap3A_127 = vector.shape_cast %swap3A_126 : vector<16xi32> to vector<16xi32>
    %swap3A_128 = vector.shape_cast %add3A_124 : vector<16xi32> to vector<16xi32>
    tpu.vector_store %arg7[%swap3A_125], %swap3A_128 {strides = array<i32>} : memref<256xi32, #tpu.memory_space<vmem>>, vector<16xi32>,
    %get3A_129 = arith.constant 96 : index
    %get3A_130 = tpu.vector_load %arg5[%get3A_129] {strides = array<i32>} : memref<256xi32, #tpu.memory_space<vmem>>, vector<16xi32>,
    %get3A_131 = vector.shape_cast %get3A_130 : vector<16xi32> to vector<16xi32>
    %mul3A_132 = arith.constant 7 : i32
    %mul3A_133 = vector.broadcast %mul3A_132 : i32 to vector<16xi32>
    %mul3A_134 = arith.muli %get3A_131, %mul3A_133 : vector<16xi32>
    %get3A_135 = arith.constant 96 : index
    %get3A_136 = tpu.vector_load %arg6[%get3A_135] {strides = array<i32>} : memref<256xi32, #tpu.memory_space<vmem>>, vector<16xi32>,
    %get3A_137 = vector.shape_cast %get3A_136 : vector<16xi32> to vector<16xi32>
    %add3A_138 = arith.addi %mul3A_134, %get3A_137 : vector<16xi32>
    %swap3A_139 = arith.constant 96 : index
    %swap3A_140 = tpu.vector_load %arg7[%swap3A_139] {strides = array<i32>} : memref<256xi32, #tpu.memory_space<vmem>>, vector<16xi32>,
    %swap3A_141 = vector.shape_cast %swap3A_140 : vector<16xi32> to vector<16xi32>
    %swap3A_142 = vector.shape_cast %add3A_138 : vector<16xi32> to vector<16xi32>
    tpu.vector_store %arg7[%swap3A_139], %swap3A_142 {strides = array<i32>} : memref<256xi32, #tpu.memory_space<vmem>>, vector<16xi32>,
    %get3A_143 = arith.constant 112 : index
    %get3A_144 = tpu.vector_load %arg5[%get3A_143] {strides = array<i32>} : memref<256xi32, #tpu.memory_space<vmem>>, vector<16xi32>,
    %get3A_145 = vector.shape_cast %get3A_144 : vector<16xi32> to vector<16xi32>
    %mul3A_146 = arith.constant 7 : i32
    %mul3A_147 = vector.broadcast %mul3A_146 : i32 to vector<16xi32>
    %mul3A_148 = arith.muli %get3A_145, %mul3A_147 : vector<16xi32>
    %get3A_149 = arith.constant 112 : index
    %get3A_150 = tpu.vector_load %arg6[%get3A_149] {strides = array<i32>} : memref<256xi32, #tpu.memory_space<vmem>>, vector<16xi32>,
    %get3A_151 = vector.shape_cast %get3A_150 : vector<16xi32> to vector<16xi32>
    %add3A_152 = arith.addi %mul3A_148, %get3A_151 : vector<16xi32>
    %swap3A_153 = arith.constant 112 : index
    %swap3A_154 = tpu.vector_load %arg7[%swap3A_153] {strides = array<i32>} : memref<256xi32, #tpu.memory_space<vmem>>, vector<16xi32>,
    %swap3A_155 = vector.shape_cast %swap3A_154 : vector<16xi32> to vector<16xi32>
    %swap3A_156 = vector.shape_cast %add3A_152 : vector<16xi32> to vector<16xi32>
    tpu.vector_store %arg7[%swap3A_153], %swap3A_156 {strides = array<i32>} : memref<256xi32, #tpu.memory_space<vmem>>, vector<16xi32>,
    %get3A_157 = arith.constant 128 : index
    %get3A_158 = tpu.vector_load %arg5[%get3A_157] {strides = array<i32>} : memref<256xi32, #tpu.memory_space<vmem>>, vector<16xi32>,
    %get3A_159 = vector.shape_cast %get3A_158 : vector<16xi32> to vector<16xi32>
    %mul3A_160 = arith.constant 7 : i32
    %mul3A_161 = vector.broadcast %mul3A_160 : i32 to vector<16xi32>
    %mul3A_162 = arith.muli %get3A_159, %mul3A_161 : vector<16xi32>
    %get3A_163 = arith.constant 128 : index
    %get3A_164 = tpu.vector_load %arg6[%get3A_163] {strides = array<i32>} : memref<256xi32, #tpu.memory_space<vmem>>, vector<16xi32>,
    %get3A_165 = vector.shape_cast %get3A_164 : vector<16xi32> to vector<16xi32>
    %add3A_166 = arith.addi %mul3A_162, %get3A_165 : vector<16xi32>
    %swap3A_167 = arith.constant 128 : index
    %swap3A_168 = tpu.vector_load %arg7[%swap3A_167] {strides = array<i32>} : memref<256xi32, #tpu.memory_space<vmem>>, vector<16xi32>,
    %swap3A_169 = vector.shape_cast %swap3A_168 : vector<16xi32> to vector<16xi32>
    %swap3A_170 = vector.shape_cast %add3A_166 : vector<16xi32> to vector<16xi32>
    tpu.vector_store %arg7[%swap3A_167], %swap3A_170 {strides = array<i32>} : memref<256xi32, #tpu.memory_space<vmem>>, vector<16xi32>,
    %get3A_171 = arith.constant 144 : index
    %get3A_172 = tpu.vector_load %arg5[%get3A_171] {strides = array<i32>} : memref<256xi32, #tpu.memory_space<vmem>>, vector<16xi32>,
    %get3A_173 = vector.shape_cast %get3A_172 : vector<16xi32> to vector<16xi32>
    %mul3A_174 = arith.constant 7 : i32
    %mul3A_175 = vector.broadcast %mul3A_174 : i32 to vector<16xi32>
    %mul3A_176 = arith.muli %get3A_173, %mul3A_175 : vector<16xi32>
    %get3A_177 = arith.constant 144 : index
    %get3A_178 = tpu.vector_load %arg6[%get3A_177] {strides = array<i32>} : memref<256xi32, #tpu.memory_space<vmem>>, vector<16xi32>,
    %get3A_179 = vector.shape_cast %get3A_178 : vector<16xi32> to vector<16xi32>
    %add3A_180 = arith.addi %mul3A_176, %get3A_179 : vector<16xi32>
    %swap3A_181 = arith.constant 144 : index
    %swap3A_182 = tpu.vector_load %arg7[%swap3A_181] {strides = array<i32>} : memref<256xi32, #tpu.memory_space<vmem>>, vector<16xi32>,
    %swap3A_183 = vector.shape_cast %swap3A_182 : vector<16xi32> to vector<16xi32>
    %swap3A_184 = vector.shape_cast %add3A_180 : vector<16xi32> to vector<16xi32>
    tpu.vector_store %arg7[%swap3A_181], %swap3A_184 {strides = array<i32>} : memref<256xi32, #tpu.memory_space<vmem>>, vector<16xi32>,
    %get3A_185 = arith.constant 160 : index
    %get3A_186 = tpu.vector_load %arg5[%get3A_185] {strides = array<i32>} : memref<256xi32, #tpu.memory_space<vmem>>, vector<16xi32>,
    %get3A_187 = vector.shape_cast %get3A_186 : vector<16xi32> to vector<16xi32>
    %mul3A_188 = arith.constant 7 : i32
    %mul3A_189 = vector.broadcast %mul3A_188 : i32 to vector<16xi32>
    %mul3A_190 = arith.muli %get3A_187, %mul3A_189 : vector<16xi32>
    %get3A_191 = arith.constant 160 : index
    %get3A_192 = tpu.vector_load %arg6[%get3A_191] {strides = array<i32>} : memref<256xi32, #tpu.memory_space<vmem>>, vector<16xi32>,
    %get3A_193 = vector.shape_cast %get3A_192 : vector<16xi32> to vector<16xi32>
    %add3A_194 = arith.addi %mul3A_190, %get3A_193 : vector<16xi32>
    %swap3A_195 = arith.constant 160 : index
    %swap3A_196 = tpu.vector_load %arg7[%swap3A_195] {strides = array<i32>} : memref<256xi32, #tpu.memory_space<vmem>>, vector<16xi32>,
    %swap3A_197 = vector.shape_cast %swap3A_196 : vector<16xi32> to vector<16xi32>
    %swap3A_198 = vector.shape_cast %add3A_194 : vector<16xi32> to vector<16xi32>
    tpu.vector_store %arg7[%swap3A_195], %swap3A_198 {strides = array<i32>} : memref<256xi32, #tpu.memory_space<vmem>>, vector<16xi32>,
    %get3A_199 = arith.constant 176 : index
    %get3A_200 = tpu.vector_load %arg5[%get3A_199] {strides = array<i32>} : memref<256xi32, #tpu.memory_space<vmem>>, vector<16xi32>,
    %get3A_201 = vector.shape_cast %get3A_200 : vector<16xi32> to vector<16xi32>
    %mul3A_202 = arith.constant 7 : i32
    %mul3A_203 = vector.broadcast %mul3A_202 : i32 to vector<16xi32>
    %mul3A_204 = arith.muli %get3A_201, %mul3A_203 : vector<16xi32>
    %get3A_205 = arith.constant 176 : index
    %get3A_206 = tpu.vector_load %arg6[%get3A_205] {strides = array<i32>} : memref<256xi32, #tpu.memory_space<vmem>>, vector<16xi32>,
    %get3A_207 = vector.shape_cast %get3A_206 : vector<16xi32> to vector<16xi32>
    %add3A_208 = arith.addi %mul3A_204, %get3A_207 : vector<16xi32>
    %swap3A_209 = arith.constant 176 : index
    %swap3A_210 = tpu.vector_load %arg7[%swap3A_209] {strides = array<i32>} : memref<256xi32, #tpu.memory_space<vmem>>, vector<16xi32>,
    %swap3A_211 = vector.shape_cast %swap3A_210 : vector<16xi32> to vector<16xi32>
    %swap3A_212 = vector.shape_cast %add3A_208 : vector<16xi32> to vector<16xi32>
    tpu.vector_store %arg7[%swap3A_209], %swap3A_212 {strides = array<i32>} : memref<256xi32, #tpu.memory_space<vmem>>, vector<16xi32>,
    %get3A_213 = arith.constant 192 : index
    %get3A_214 = tpu.vector_load %arg5[%get3A_213] {strides = array<i32>} : memref<256xi32, #tpu.memory_space<vmem>>, vector<16xi32>,
    %get3A_215 = vector.shape_cast %get3A_214 : vector<16xi32> to vector<16xi32>
    %mul3A_216 = arith.constant 7 : i32
    %mul3A_217 = vector.broadcast %mul3A_216 : i32 to vector<16xi32>
    %mul3A_218 = arith.muli %get3A_215, %mul3A_217 : vector<16xi32>
    %get3A_219 = arith.constant 192 : index
    %get3A_220 = tpu.vector_load %arg6[%get3A_219] {strides = array<i32>} : memref<256xi32, #tpu.memory_space<vmem>>, vector<16xi32>,
    %get3A_221 = vector.shape_cast %get3A_220 : vector<16xi32> to vector<16xi32>
    %add3A_222 = arith.addi %mul3A_218, %get3A_221 : vector<16xi32>
    %swap3A_223 = arith.constant 192 : index
    %swap3A_224 = tpu.vector_load %arg7[%swap3A_223] {strides = array<i32>} : memref<256xi32, #tpu.memory_space<vmem>>, vector<16xi32>,
    %swap3A_225 = vector.shape_cast %swap3A_224 : vector<16xi32> to vector<16xi32>
    %swap3A_226 = vector.shape_cast %add3A_222 : vector<16xi32> to vector<16xi32>
    tpu.vector_store %arg7[%swap3A_223], %swap3A_226 {strides = array<i32>} : memref<256xi32, #tpu.memory_space<vmem>>, vector<16xi32>,
    %get3A_227 = arith.constant 208 : index
    %get3A_228 = tpu.vector_load %arg5[%get3A_227] {strides = array<i32>} : memref<256xi32, #tpu.memory_space<vmem>>, vector<16xi32>,
    %get3A_229 = vector.shape_cast %get3A_228 : vector<16xi32> to vector<16xi32>
    %mul3A_230 = arith.constant 7 : i32
    %mul3A_231 = vector.broadcast %mul3A_230 : i32 to vector<16xi32>
    %mul3A_232 = arith.muli %get3A_229, %mul3A_231 : vector<16xi32>
    %get3A_233 = arith.constant 208 : index
    %get3A_234 = tpu.vector_load %arg6[%get3A_233] {strides = array<i32>} : memref<256xi32, #tpu.memory_space<vmem>>, vector<16xi32>,
    %get3A_235 = vector.shape_cast %get3A_234 : vector<16xi32> to vector<16xi32>
    %add3A_236 = arith.addi %mul3A_232, %get3A_235 : vector<16xi32>
    %swap3A_237 = arith.constant 208 : index
    %swap3A_238 = tpu.vector_load %arg7[%swap3A_237] {strides = array<i32>} : memref<256xi32, #tpu.memory_space<vmem>>, vector<16xi32>,
    %swap3A_239 = vector.shape_cast %swap3A_238 : vector<16xi32> to vector<16xi32>
    %swap3A_240 = vector.shape_cast %add3A_236 : vector<16xi32> to vector<16xi32>
    tpu.vector_store %arg7[%swap3A_237], %swap3A_240 {strides = array<i32>} : memref<256xi32, #tpu.memory_space<vmem>>, vector<16xi32>,
    %get3A_241 = arith.constant 224 : index
    %get3A_242 = tpu.vector_load %arg5[%get3A_241] {strides = array<i32>} : memref<256xi32, #tpu.memory_space<vmem>>, vector<16xi32>,
    %get3A_243 = vector.shape_cast %get3A_242 : vector<16xi32> to vector<16xi32>
    %mul3A_244 = arith.constant 7 : i32
    %mul3A_245 = vector.broadcast %mul3A_244 : i32 to vector<16xi32>
    %mul3A_246 = arith.muli %get3A_243, %mul3A_245 : vector<16xi32>
    %get3A_247 = arith.constant 224 : index
    %get3A_248 = tpu.vector_load %arg6[%get3A_247] {strides = array<i32>} : memref<256xi32, #tpu.memory_space<vmem>>, vector<16xi32>,
    %get3A_249 = vector.shape_cast %get3A_248 : vector<16xi32> to vector<16xi32>
    %add3A_250 = arith.addi %mul3A_246, %get3A_249 : vector<16xi32>
    %swap3A_251 = arith.constant 224 : index
    %swap3A_252 = tpu.vector_load %arg7[%swap3A_251] {strides = array<i32>} : memref<256xi32, #tpu.memory_space<vmem>>, vector<16xi32>,
    %swap3A_253 = vector.shape_cast %swap3A_252 : vector<16xi32> to vector<16xi32>
    %swap3A_254 = vector.shape_cast %add3A_250 : vector<16xi32> to vector<16xi32>
    tpu.vector_store %arg7[%swap3A_251], %swap3A_254 {strides = array<i32>} : memref<256xi32, #tpu.memory_space<vmem>>, vector<16xi32>,
    %get3A_255 = arith.constant 240 : index
    %get3A_256 = tpu.vector_load %arg5[%get3A_255] {strides = array<i32>} : memref<256xi32, #tpu.memory_space<vmem>>, vector<16xi32>,
    %get3A_257 = vector.shape_cast %get3A_256 : vector<16xi32> to vector<16xi32>
    %mul3A_258 = arith.constant 7 : i32
    %mul3A_259 = vector.broadcast %mul3A_258 : i32 to vector<16xi32>
    %mul3A_260 = arith.muli %get3A_257, %mul3A_259 : vector<16xi32>
    %get3A_261 = arith.constant 240 : index
    %get3A_262 = tpu.vector_load %arg6[%get3A_261] {strides = array<i32>} : memref<256xi32, #tpu.memory_space<vmem>>, vector<16xi32>,
    %get3A_263 = vector.shape_cast %get3A_262 : vector<16xi32> to vector<16xi32>
    %add3A_264 = arith.addi %mul3A_260, %get3A_263 : vector<16xi32>
    %swap3A_265 = arith.constant 240 : index
    %swap3A_266 = tpu.vector_load %arg7[%swap3A_265] {strides = array<i32>} : memref<256xi32, #tpu.memory_space<vmem>>, vector<16xi32>,
    %swap3A_267 = vector.shape_cast %swap3A_266 : vector<16xi32> to vector<16xi32>
    %swap3A_268 = vector.shape_cast %add3A_264 : vector<16xi32> to vector<16xi32>
    tpu.vector_store %arg7[%swap3A_265], %swap3A_268 {strides = array<i32>} : memref<256xi32, #tpu.memory_space<vmem>>, vector<16xi32>,
    %eq3A_269 = arith.constant 0 : i32
    %eq3A_270 = arith.cmpi eq, %arg1, %eq3A_269 : i32
    %convert_element_type3A_271 = arith.extui %eq3A_270 : i1 to i32
    %cond3A_272 = arith.constant 0 : i32
    %cond3A_273 = arith.cmpi ne, %convert_element_type3A_271, %cond3A_272 : i32
    scf.if %cond3A_273 {
      tpu.wait_dma2 semaphore(%arg10 : memref<!tpu.dma_semaphore, #tpu.memory_space<semaphore_mem>>) src(%arg3 : memref<49x128xf32, #tpu.memory_space<hbm>>) dst(%arg9 : memref<49x128xf32, #tpu.memory_space<vmem_shared>>)
    } else {
    }
    %barrier3A = arith.constant 0 : index
    tpu.barrier barrier_id(%barrier3A)
    %dma_start3A_274 = arith.constant 0 : i32
    %dma_start3A_275 = arith.constant 0 : i32
    %dma_start3A_276 = tpu.memref_slice %arg8[%dma_start3A_274, %dma_start3A_275] : memref<256x128xf32, #tpu.memory_space<vmem>> -> memref<128x128xf32, #tpu.memory_space<vmem>>
    %dma_start3A_277 = arith.constant 0 : i32
    %dma_start3A_278 = tpu.memref_slice %arg7[%dma_start3A_277] : memref<256xi32, #tpu.memory_space<vmem>> -> memref<128xi32, #tpu.memory_space<vmem>>
    %dma_start3A_279 = arith.constant 0 : i32
    %dma_start3A_280 = arith.constant 0 : i32
    %dma_start3A_281 = tpu.memref_slice %arg9[%dma_start3A_279, %dma_start3A_280] : memref<49x128xf32, #tpu.memory_space<vmem_shared>> -> memref<49x128xf32, #tpu.memory_space<vmem_shared>>
    tpu.enqueue_indirect_dma source(%dma_start3A_281 : memref<49x128xf32, #tpu.memory_space<vmem_shared>>) target(%dma_start3A_276 : memref<128x128xf32, #tpu.memory_space<vmem>>) offsets(%dma_start3A_278 : memref<128xi32, #tpu.memory_space<vmem>>) semaphore(%arg13 : memref<!tpu.dma_semaphore, #tpu.memory_space<semaphore_mem>>)
    %dma_start3A_282 = arith.constant 128 : i32
    %dma_start3A_283 = arith.constant 0 : i32
    %dma_start3A_284 = tpu.memref_slice %arg8[%dma_start3A_282, %dma_start3A_283] : memref<256x128xf32, #tpu.memory_space<vmem>> -> memref<128x128xf32, #tpu.memory_space<vmem>>
    %dma_start3A_285 = arith.constant 128 : i32
    %dma_start3A_286 = tpu.memref_slice %arg7[%dma_start3A_285] : memref<256xi32, #tpu.memory_space<vmem>> -> memref<128xi32, #tpu.memory_space<vmem>>
    %dma_start3A_287 = arith.constant 0 : i32
    %dma_start3A_288 = arith.constant 0 : i32
    %dma_start3A_289 = tpu.memref_slice %arg9[%dma_start3A_287, %dma_start3A_288] : memref<49x128xf32, #tpu.memory_space<vmem_shared>> -> memref<49x128xf32, #tpu.memory_space<vmem_shared>>
    tpu.enqueue_indirect_dma source(%dma_start3A_289 : memref<49x128xf32, #tpu.memory_space<vmem_shared>>) target(%dma_start3A_284 : memref<128x128xf32, #tpu.memory_space<vmem>>) offsets(%dma_start3A_286 : memref<128xi32, #tpu.memory_space<vmem>>) semaphore(%arg14 : memref<!tpu.dma_semaphore, #tpu.memory_space<semaphore_mem>>)
    %mul3A_290 = arith.constant 256 : i32
    %mul3A_291 = arith.muli %add3A, %mul3A_290 : i32
    %dma_wait3A_292 = arith.constant 0 : i32
    %dma_wait3A_293 = arith.constant 0 : i32
    %dma_wait3A_294 = tpu.memref_slice %arg8[%dma_wait3A_292, %dma_wait3A_293] : memref<256x128xf32, #tpu.memory_space<vmem>> -> memref<128x128xf32, #tpu.memory_space<vmem>>
    %dma_wait3A_295 = arith.constant 0 : i32
    %dma_wait3A_296 = tpu.memref_slice %arg7[%dma_wait3A_295] : memref<256xi32, #tpu.memory_space<vmem>> -> memref<128xi32, #tpu.memory_space<vmem>>
    %dma_wait3A_297 = arith.constant 0 : i32
    %dma_wait3A_298 = arith.constant 0 : i32
    %dma_wait3A_299 = tpu.memref_slice %arg9[%dma_wait3A_297, %dma_wait3A_298] : memref<49x128xf32, #tpu.memory_space<vmem_shared>> -> memref<49x128xf32, #tpu.memory_space<vmem_shared>>
    tpu.wait_indirect_dma semaphore(%arg13 : memref<!tpu.dma_semaphore, #tpu.memory_space<semaphore_mem>>) src(%dma_wait3A_299 : memref<49x128xf32, #tpu.memory_space<vmem_shared>>) dst(%dma_wait3A_294 : memref<128x128xf32, #tpu.memory_space<vmem>>)
    %dma_start3A_300 = arith.constant 0 : i32
    %dma_start3A_301 = arith.constant 0 : i32
    %dma_start3A_302 = tpu.memref_slice %arg8[%dma_start3A_300, %dma_start3A_301] : memref<256x128xf32, #tpu.memory_space<vmem>> -> memref<128x128xf32, #tpu.memory_space<vmem>>
    %dma_start3A_303 = arith.constant 0 : i32
    %dma_start3A_304 = tpu.memref_slice %arg4[%mul3A_291, %dma_start3A_303] : memref<8192x128xf32, #tpu.memory_space<hbm>> -> memref<128x128xf32, #tpu.memory_space<hbm>>
    %dma_start3A_305 = arith.constant 0 : i32
    %dma_start3A_306 = tpu.memref_slice %arg4[%mul3A_291, %dma_start3A_305] : memref<8192x128xf32, #tpu.memory_space<hbm>> -> memref<128x128xf32, #tpu.memory_space<hbm>>
    %dma_start3A_307 = arith.constant 0 : i32
    %dma_start3A_308 = arith.constant 0 : i32
    %dma_start3A_309 = tpu.memref_slice %arg8[%dma_start3A_307, %dma_start3A_308] : memref<256x128xf32, #tpu.memory_space<vmem>> -> memref<128x128xf32, #tpu.memory_space<vmem>>
    tpu.enqueue_dma source(%dma_start3A_309 : memref<128x128xf32, #tpu.memory_space<vmem>>) target(%dma_start3A_306 : memref<128x128xf32, #tpu.memory_space<hbm>>) target_semaphore(%arg11 : memref<!tpu.dma_semaphore, #tpu.memory_space<semaphore_mem>>)
    %dma_wait3A_310 = arith.constant 128 : i32
    %dma_wait3A_311 = arith.constant 0 : i32
    %dma_wait3A_312 = tpu.memref_slice %arg8[%dma_wait3A_310, %dma_wait3A_311] : memref<256x128xf32, #tpu.memory_space<vmem>> -> memref<128x128xf32, #tpu.memory_space<vmem>>
    %dma_wait3A_313 = arith.constant 128 : i32
    %dma_wait3A_314 = tpu.memref_slice %arg7[%dma_wait3A_313] : memref<256xi32, #tpu.memory_space<vmem>> -> memref<128xi32, #tpu.memory_space<vmem>>
    %dma_wait3A_315 = arith.constant 0 : i32
    %dma_wait3A_316 = arith.constant 0 : i32
    %dma_wait3A_317 = tpu.memref_slice %arg9[%dma_wait3A_315, %dma_wait3A_316] : memref<49x128xf32, #tpu.memory_space<vmem_shared>> -> memref<49x128xf32, #tpu.memory_space<vmem_shared>>
    tpu.wait_indirect_dma semaphore(%arg14 : memref<!tpu.dma_semaphore, #tpu.memory_space<semaphore_mem>>) src(%dma_wait3A_317 : memref<49x128xf32, #tpu.memory_space<vmem_shared>>) dst(%dma_wait3A_312 : memref<128x128xf32, #tpu.memory_space<vmem>>)
    %add3A_318 = arith.constant 128 : i32
    %add3A_319 = arith.addi %mul3A_291, %add3A_318 : i32
    %dma_start3A_320 = arith.constant 128 : i32
    %dma_start3A_321 = arith.constant 0 : i32
    %dma_start3A_322 = tpu.memref_slice %arg8[%dma_start3A_320, %dma_start3A_321] : memref<256x128xf32, #tpu.memory_space<vmem>> -> memref<128x128xf32, #tpu.memory_space<vmem>>
    %dma_start3A_323 = arith.constant 0 : i32
    %dma_start3A_324 = tpu.memref_slice %arg4[%add3A_319, %dma_start3A_323] : memref<8192x128xf32, #tpu.memory_space<hbm>> -> memref<128x128xf32, #tpu.memory_space<hbm>>
    %dma_start3A_325 = arith.constant 0 : i32
    %dma_start3A_326 = tpu.memref_slice %arg4[%add3A_319, %dma_start3A_325] : memref<8192x128xf32, #tpu.memory_space<hbm>> -> memref<128x128xf32, #tpu.memory_space<hbm>>
    %dma_start3A_327 = arith.constant 128 : i32
    %dma_start3A_328 = arith.constant 0 : i32
    %dma_start3A_329 = tpu.memref_slice %arg8[%dma_start3A_327, %dma_start3A_328] : memref<256x128xf32, #tpu.memory_space<vmem>> -> memref<128x128xf32, #tpu.memory_space<vmem>>
    tpu.enqueue_dma source(%dma_start3A_329 : memref<128x128xf32, #tpu.memory_space<vmem>>) target(%dma_start3A_326 : memref<128x128xf32, #tpu.memory_space<hbm>>) target_semaphore(%arg12 : memref<!tpu.dma_semaphore, #tpu.memory_space<semaphore_mem>>)
    %dma_wait3A_330 = arith.constant 0 : i32
    %dma_wait3A_331 = arith.constant 0 : i32
    %dma_wait3A_332 = tpu.memref_slice %arg8[%dma_wait3A_330, %dma_wait3A_331] : memref<256x128xf32, #tpu.memory_space<vmem>> -> memref<128x128xf32, #tpu.memory_space<vmem>>
    %dma_wait3A_333 = arith.constant 0 : i32
    %dma_wait3A_334 = tpu.memref_slice %arg4[%mul3A_291, %dma_wait3A_333] : memref<8192x128xf32, #tpu.memory_space<hbm>> -> memref<128x128xf32, #tpu.memory_space<hbm>>
    %dma_wait3A_335 = arith.constant 0 : i32
    %dma_wait3A_336 = tpu.memref_slice %arg4[%mul3A_291, %dma_wait3A_335] : memref<8192x128xf32, #tpu.memory_space<hbm>> -> memref<128x128xf32, #tpu.memory_space<hbm>>
    %dma_wait3A_337 = arith.constant 0 : i32
    %dma_wait3A_338 = arith.constant 0 : i32
    %dma_wait3A_339 = tpu.memref_slice %arg8[%dma_wait3A_337, %dma_wait3A_338] : memref<256x128xf32, #tpu.memory_space<vmem>> -> memref<128x128xf32, #tpu.memory_space<vmem>>
    tpu.wait_dma2 semaphore(%arg11 : memref<!tpu.dma_semaphore, #tpu.memory_space<semaphore_mem>>) src(%dma_wait3A_339 : memref<128x128xf32, #tpu.memory_space<vmem>>) dst(%dma_wait3A_336 : memref<128x128xf32, #tpu.memory_space<hbm>>)
    %dma_wait3A_340 = arith.constant 128 : i32
    %dma_wait3A_341 = arith.constant 0 : i32
    %dma_wait3A_342 = tpu.memref_slice %arg8[%dma_wait3A_340, %dma_wait3A_341] : memref<256x128xf32, #tpu.memory_space<vmem>> -> memref<128x128xf32, #tpu.memory_space<vmem>>
    %dma_wait3A_343 = arith.constant 0 : i32
    %dma_wait3A_344 = tpu.memref_slice %arg4[%add3A_319, %dma_wait3A_343] : memref<8192x128xf32, #tpu.memory_space<hbm>> -> memref<128x128xf32, #tpu.memory_space<hbm>>
    %dma_wait3A_345 = arith.constant 0 : i32
    %dma_wait3A_346 = tpu.memref_slice %arg4[%add3A_319, %dma_wait3A_345] : memref<8192x128xf32, #tpu.memory_space<hbm>> -> memref<128x128xf32, #tpu.memory_space<hbm>>
    %dma_wait3A_347 = arith.constant 128 : i32
    %dma_wait3A_348 = arith.constant 0 : i32
    %dma_wait3A_349 = tpu.memref_slice %arg8[%dma_wait3A_347, %dma_wait3A_348] : memref<256x128xf32, #tpu.memory_space<vmem>> -> memref<128x128xf32, #tpu.memory_space<vmem>>
    tpu.wait_dma2 semaphore(%arg12 : memref<!tpu.dma_semaphore, #tpu.memory_space<semaphore_mem>>) src(%dma_wait3A_349 : memref<128x128xf32, #tpu.memory_space<vmem>>) dst(%dma_wait3A_346 : memref<128x128xf32, #tpu.memory_space<hbm>>)
    return
  }
}

module attributes {stable_mosaic.version = 14 : i64} {
  func.func @_transpose_body(%arg0: i32, %arg1: memref<4096x128xf32, #tpu.memory_space<vmem>>, %arg2: memref<64x8192xf32, #tpu.memory_space<vmem>>) attributes {dimension_semantics = [#tpu.dimension_semantics<arbitrary>], iteration_bounds = array<i64: 2>, scalar_prefetch = 0 : i64, scratch_operands = 0 : i64, tpu.core_type = #tpu.core_type<tc>, window_params = [{transform_indices = @transform_0, window_bounds = array<i64: 4096, 128>}, {transform_indices = @transform_1, window_bounds = array<i64: 64, 8192>}]} {
    %get3A = arith.constant 0 : index
    %get3A_0 = arith.constant 0 : index
    %get3A_1 = vector.load %arg1[%get3A, %get3A_0] : memref<4096x128xf32, #tpu.memory_space<vmem>>, vector<2048x128xf32>
    %transpose3A = tpu.transpose %get3A_1, [1, 0] : vector<2048x128xf32> -> vector<128x2048xf32>
    %get3A_2 = arith.constant 2048 : index
    %get3A_3 = arith.constant 0 : index
    %get3A_4 = vector.load %arg1[%get3A_2, %get3A_3] : memref<4096x128xf32, #tpu.memory_space<vmem>>, vector<2048x128xf32>
    %transpose3A_5 = tpu.transpose %get3A_4, [1, 0] : vector<2048x128xf32> -> vector<128x2048xf32>
    %slice3A = vector.extract_strided_slice %transpose3A {offsets = [0, 0], sizes = [64, 2048], strides = [1, 1]} : vector<128x2048xf32> to vector<64x2048xf32>
    %swap3A = arith.constant 0 : index
    %swap3A_6 = arith.constant 0 : index
    %swap3A_7 = vector.load %arg2[%swap3A, %swap3A_6] : memref<64x8192xf32, #tpu.memory_space<vmem>>, vector<64x2048xf32>
    tpu.vector_store %arg2[%swap3A, %swap3A_6], %slice3A {strides = array<i32>} : memref<64x8192xf32, #tpu.memory_space<vmem>>, vector<64x2048xf32>,
    %slice3A_8 = vector.extract_strided_slice %transpose3A_5 {offsets = [0, 0], sizes = [64, 2048], strides = [1, 1]} : vector<128x2048xf32> to vector<64x2048xf32>
    %swap3A_9 = arith.constant 0 : index
    %swap3A_10 = arith.constant 2048 : index
    %swap3A_11 = vector.load %arg2[%swap3A_9, %swap3A_10] : memref<64x8192xf32, #tpu.memory_space<vmem>>, vector<64x2048xf32>
    tpu.vector_store %arg2[%swap3A_9, %swap3A_10], %slice3A_8 {strides = array<i32>} : memref<64x8192xf32, #tpu.memory_space<vmem>>, vector<64x2048xf32>,
    %slice3A_12 = vector.extract_strided_slice %transpose3A {offsets = [64, 0], sizes = [64, 2048], strides = [1, 1]} : vector<128x2048xf32> to vector<64x2048xf32>
    %swap3A_13 = arith.constant 0 : index
    %swap3A_14 = arith.constant 4096 : index
    %swap3A_15 = vector.load %arg2[%swap3A_13, %swap3A_14] : memref<64x8192xf32, #tpu.memory_space<vmem>>, vector<64x2048xf32>
    tpu.vector_store %arg2[%swap3A_13, %swap3A_14], %slice3A_12 {strides = array<i32>} : memref<64x8192xf32, #tpu.memory_space<vmem>>, vector<64x2048xf32>,
    %slice3A_16 = vector.extract_strided_slice %transpose3A_5 {offsets = [64, 0], sizes = [64, 2048], strides = [1, 1]} : vector<128x2048xf32> to vector<64x2048xf32>
    %swap3A_17 = arith.constant 0 : index
    %swap3A_18 = arith.constant 6144 : index
    %swap3A_19 = vector.load %arg2[%swap3A_17, %swap3A_18] : memref<64x8192xf32, #tpu.memory_space<vmem>>, vector<64x2048xf32>
    tpu.vector_store %arg2[%swap3A_17, %swap3A_18], %slice3A_16 {strides = array<i32>} : memref<64x8192xf32, #tpu.memory_space<vmem>>, vector<64x2048xf32>,
    return
  }
  func.func @transform_0(%arg0: i32) -> (i32, i32) {
    %c0_i32 = arith.constant 0 : i32
    %c0_i32_0 = arith.constant 0 : i32
    return %arg0, %c0_i32 : i32, i32
  }
  func.func @transform_1(%arg0: i32) -> (i32, i32) {
    %c0_i32 = arith.constant 0 : i32
    %c0_i32_0 = arith.constant 0 : i32
    return %c0_i32, %arg0 : i32, i32
  }
}

</mosaic_0001>

<sc_bundles>
// kernel: kernel.4.cloned.1.call-start
scs
__scs_entry_jumppad:
0x0: {  	(pc) =	sbr.rel $0x88, $3  }
0x1: {  	(tag) =	ssettag $0x0;
	lr =	simm.s32 $0x1  }
0x2: {  	[smem:$0x3F9F] =	sst lr;
	_ =	strace $0xD0000000  }
0x3: {  	_ = 	snop  }
0x4: {  	_ = 	snop  }
0x5: {  	_ = 	snop  }
0x6: {  	_ = 	snop  }
0x7: {  	_ = 	snop  }
__scs_overlays_trampoline_lowered:
0x8: {  	[smem:$0x3FAE] =	sst s0  }
0x9: {  	[smem:$0x3FAF] =	sst s1  }
0xa: {  	[smem:$0x3FB0] =	sst s2  }
0xb: {  	[smem:$0x3FB1] =	sst s3  }
0xc: {  	[smem:$0x3FB2] =	sst s4  }
0xd: {  	[smem:$0x3FB3] =	sst s5  }
0xe: {  	[smem:$0x3FB4] =	sst s6  }
0xf: {  	[smem:$0x3FB5] =	sst s7  }
0x10: {  	[smem:$0x3FB6] =	sst s8  }
0x11: {  	[smem:$0x3FB7] =	sst s9;
	s0 =	simm.s32 @!p0 $0x0  }
0x12: {  	s1 =	sld [smem:$0x3F9D];
	s0 =	simm.s32 @p0 $0x1  }
0x13: {  	[smem:$0x3FB8] =	sst s0;
	s0 =	simm.s32 @!p1 $0x0  }
0x14: {  	s2 =	sld [smem:$0x3F9C];
	s0 =	simm.s32 @p1 $0x1  }
0x15: {  	[smem:$0x3FB9] =	sst s0;
	s0 =	simm.s32 @!p2 $0x0  }
0x16: {  	s3 =	sld [smem:$0x3FDB];
	s0 =	simm.s32 @p2 $0x1  }
0x17: {  	s4 =	simm.s32 $0x1BF5;
	[smem:$0x3FBB] =	sst s0  }
0x18: {  	s0 =	sld [smem:$0x3F9E];
	_ =	swait.ge [sflag:s4], $0x0  }
0x19: {  	s7 =	sld [smem:$0x3F9F]  }
0x1a: {  	s8 =	sadd.s32 $0xFFFFE003, lr  }
0x1b: {  	s9 =	sadd.s32 $0xFFFFFEF7, lr;
	s5 =	simm.s32 $0xFFFFFFFF;
	p2 =	slt.u32 s8, $0xFFFFF086  }
0x1c: {  	p1 =	slt.u32 s9, $0xF7A;
	s5 =	simm.s32 @!p2 $0x0  }
0x1d: {  	s5 =	simm.s32 @p1 $0x1;
	p0 =	seq.s32 s7, s2  }
0x1e: {  	s7 =	smul.u32 @!p0 $0xF7A, s2;
	p2 =	seq.s32 @!p0 s5, $0x0  }
0x1f: {  	s9 =	smul.u32 $0xF7A, s1;
	s8 =	simm.s32 @!p0 $0x1BF5;
	p2 =	por !p2, p0  }
0x20: {  	[sflag:s8] =	ssyncset.s32 @!p0 $0xFFFFF086;
	s6 =	sadd.s32 @!p0 s3, s7;
	s7 =	simm.s32 @!p0 $0x108  }
0x21: {  	s3 =	sadd.s32 s3, s9;
	s6 =	sadd.s32 @!p0 $0x88, s6;
	s7 =	simm.s32 @p2 $0x1082  }
0x22: {  	[simem:s7], [sflag:s8] =	dma.local @!p0 [hbm:s6], $0xF7A  }
0x23: {  	s9 =	sor.u32 $0xD0000000, s2;
	s6 =	simm.s32 $0x108;
	_ =	swait.ge @!p0 [sflag:s8], $0x0  }
0x24: {  	s3 =	sadd.s32 $0x88, s3;
	s6 =	simm.s32 @!p1 $0x1082;
	[sflag:s4] =	ssyncset.s32 $0xFFFFF086  }
0x25: {  	[simem:s6], [sflag:s4] =	dma.local [hbm:s3], $0xF7A  }
0x26: {  	[smem:$0x3F9F] =	sst s1;
	(tag) =	ssettag s2;
	_ =	strace s9  }
0x27: {  	s1 =	sld [smem:$0x3FAF]  }
0x28: {  	s2 =	sld [smem:$0x3FB0]  }
0x29: {  	s4 =	sld [smem:$0x3FB2]  }
0x2a: {  	p0 =	seq.s32 s5, $0x0;
	s5 =	sld [smem:$0x3FB3]  }
0x2b: {  	s6 =	sld [smem:$0x3FB4]  }
0x2c: {  	s7 =	sld [smem:$0x3FB5]  }
0x2d: {  	s3 =	simm.s32 $0x108;
	s8 =	sld [smem:$0x3FB6]  }
0x2e: {  	s3 =	simm.s32 @!p0 $0x1082;
	s9 =	sld [smem:$0x3FB7]  }
0x2f: {  	lr =	sadd.s32 s0, s3;
	s0 =	sld [smem:$0x3FAE]  }
0x30: {  	s3 =	sld [smem:$0x3FB1]  }
0x31: {  	[smem:$0x3FBA] =	sst s10  }
0x32: {  	s10 =	sld [smem:$0x3FB8];
	_ =	sdelay $0x3  }
0x33: {  	p0 =	seq.s32 s10, $0x1;
	s10 =	sld [smem:$0x3FBA];
	_ =	sdelay $0x3  }
0x34: {  	[smem:$0x3FBA] =	sst s10  }
0x35: {  	s10 =	sld [smem:$0x3FB9];
	_ =	sdelay $0x3  }
0x36: {  	p1 =	seq.s32 s10, $0x1;
	s10 =	sld [smem:$0x3FBA];
	_ =	sdelay $0x3  }
0x37: {  	[smem:$0x3FBA] =	sst s10  }
0x38: {  	s10 =	sld [smem:$0x3FBB]  }
0x39: {  	_ = 	snop;
	(pc) =	sbr.ind lr, $3  }
0x3a: {  	_ = 	snop  }
0x3b: {  	_ = 	snop  }
0x3c: {  	p2 =	seq.s32 s10, $0x1;
	s10 =	sld [smem:$0x3FBA]  }
0x3d: {  	_ =	shalt  }
0x3e: {  	_ =	shalt  }
0x3f: {  	_ =	shalt  }
0x40: {  	_ =	shalt  }
0x41: {  	_ =	shalt  }
0x42: {  	_ =	shalt  }
0x43: {  	_ =	shalt  }
0x44: {  	_ =	shalt  }
0x45: {  	_ =	shalt  }
0x46: {  	_ =	shalt  }
0x47: {  	_ =	shalt  }
0x48: {  	_ =	shalt  }
0x49: {  	_ =	shalt  }
0x4a: {  	_ =	shalt  }
0x4b: {  	_ =	shalt  }
0x4c: {  	_ =	shalt  }
0x4d: {  	_ =	shalt  }
0x4e: {  	_ =	shalt  }
0x4f: {  	_ =	shalt  }
0x50: {  	_ =	shalt  }
0x51: {  	_ =	shalt  }
0x52: {  	_ =	shalt  }
0x53: {  	_ =	shalt  }
0x54: {  	_ =	shalt  }
0x55: {  	_ =	shalt  }
0x56: {  	_ =	shalt  }
0x57: {  	_ =	shalt  }
0x58: {  	_ =	shalt  }
0x59: {  	_ =	shalt  }
0x5a: {  	_ =	shalt  }
0x5b: {  	_ =	shalt  }
0x5c: {  	_ =	shalt  }
0x5d: {  	_ =	shalt  }
0x5e: {  	_ =	shalt  }
0x5f: {  	_ =	shalt  }
0x60: {  	_ =	shalt  }
0x61: {  	_ =	shalt  }
0x62: {  	_ =	shalt  }
0x63: {  	_ =	shalt  }
0x64: {  	_ =	shalt  }
0x65: {  	_ =	shalt  }
0x66: {  	_ =	shalt  }
0x67: {  	_ =	shalt  }
0x68: {  	_ =	shalt  }
0x69: {  	_ =	shalt  }
0x6a: {  	_ =	shalt  }
0x6b: {  	_ =	shalt  }
0x6c: {  	_ =	shalt  }
0x6d: {  	_ =	shalt  }
0x6e: {  	_ =	shalt  }
0x6f: {  	_ =	shalt  }
0x70: {  	_ =	shalt  }
0x71: {  	_ =	shalt  }
0x72: {  	_ =	shalt  }
0x73: {  	_ =	shalt  }
0x74: {  	_ =	shalt  }
0x75: {  	_ =	shalt  }
0x76: {  	_ =	shalt  }
0x77: {  	_ =	shalt  }
0x78: {  	_ =	shalt  }
0x79: {  	_ =	shalt  }
0x7a: {  	_ =	shalt  }
0x7b: {  	_ =	shalt  }
0x7c: {  	_ =	shalt  }
0x7d: {  	_ =	shalt  }
0x7e: {  	_ =	shalt  }
0x7f: {  	_ =	shalt  }
0x80: {  	_ =	shalt  }
0x81: {  	_ =	shalt  }
0x82: {  	_ =	shalt  }
0x83: {  	_ =	shalt  }
0x84: {  	_ =	shalt  }
0x85: {  	_ =	shalt  }
0x86: {  	_ =	shalt  }
0x87: {  	_ =	shalt  }
.Lfunc_end0:
.L_simem_size_0:
called_computation_lowered:
.L_overlay_start_0:
0x88: {  	s2 =	sld [smem:$0x3FD9]  }
0x89: {  	s3 =	sld [smem:$0x3FFE];
	_ =	sdelay $0x1  }
0x8a: {  	s1 =	srdreg.scid  }
0x8b: {  	s0 =	sand.u32 $0x1, s1  }
0x8c: {  	s17 =	sshll.u32 s0, $0xA;
	s2 =	sadd.s32 s3, s2  }
0x8d: {  	s2 =	sadd.s32 s2, s17  }
0x8e: {  	[smem:$0x3FC6] =	sst s2  }
0x8f: {  	_ = 	snop  }
0x90: {  	s2 =	sld [smem:$0x3FC9]  }
0x91: {  	s18 =	sld [smem:$0x3FD0];
	(tm) =	ssettm $0x1  }
0x92: {  	s4 =	sld [smem:$0x3FFB];
	_ =	sdelay $0x3  }
0x93: {  	_ =	strace s4  }
0x94: {  	s4 =	sld [smem:$0x3FFC];
	_ =	sdelay $0x3  }
0x95: {  	_ =	strace s4  }
0x96: {  	s4 =	sld [smem:$0x3FFD];
	_ =	sdelay $0x3  }
0x97: {  	_ =	strace s4  }
0x98: {  	_ =	strace $0x8FFFFFFF  }
0x99: {  	s19 =	sld [smem:$0x3FDB];
	_ =	sdelay $0x1  }
0x9a: {  	s5 =	simm.s32 $_scs_section_size  }
0x9b: {  	s6 =	simm.s32 $_size__tile_overlayer_lowered;
	s7 =	simm.s32 $_tile_overlayer_lowered  }
0x9c: {  	s22 =	simm.s32 $0x1BFF;
	s21 =	sshll.u32 s7, $0x1;
	s4 =	sadd.s32 s5, s19  }
0x9d: {  	s8 =	simm.s32 $0x0;
	s20 =	sshll.u32 s6, $0x1;
	s6 =	sadd.s32 s21, s4  }
0x9e: {  	[timem:s8], [sflag:s22] =	dma.local [hbm:s6], s20  }
0x9f: {  	_ =	swait.ge [sflag:s22], s20  }
0xa0: {  	s5 =	ssub.s32 $0x0, s20;
	[sflag:s22] =	ssyncset.done $0x0  }
0xa1: {  	[sflag:s22] =	ssyncadd.s32 s5;
	_ =	sdelay $0x1  }
0xa2: {  	s23 =	simm.s32 $0x1B8B  }
0xa3: {  	_ =	swait.ge [sflag:s23], $0x1  }
0xa4: {  	[sflag:s23] =	ssyncset.done $0x0  }
0xa5: {  	s25 =	simm.s32 $0x1B8E;
	s24 =	sld [smem:$0x3FFE];
	[sflag:s23] =	ssyncadd.s32 $0xFFFFFFFF  }
0xa6: {  	s26 =	simm.s32 $execute0_lowered;
	[smem:$0x3FD2] =	sst s25  }
0xa7: {  	s6 =	sshll.u32 s26, $0x1;
	_ =	strace $0x80000046;
	[dreg:$0x1] =	wrdreg $0xFFFFFFFF  }
0xa8: {  	s28 =	simm.s32 $_size_execute0_lowered;
	s4 =	sadd.s32 s4, s6;
	[dreg:$0x0] =	wrdreg $0x0  }
0xa9: {  	s6 =	sshll.u32 s28, $0x1;
	[dreg:$0x2] =	wrdreg s4  }
0xaa: {  	[dreg:$0x3] =	wrdreg s6  }
0xab: {  	[dreg:$0x4] =	wrdreg $0xC0  }
0xac: {  	_ =	task [dreg:s8], $0x5FFFF  }
0xad: {  	[dreg:$0x1] =	wrdreg $0xFFFFFFFF  }
0xae: {  	[dreg:$0x0] =	wrdreg $0x60  }
0xaf: {  	[dreg:$0x2] =	wrdreg s2  }
0xb0: {  	[dreg:$0x3] =	wrdreg s24  }
0xb1: {  	[dreg:$0x4] =	wrdreg s18  }
0xb2: {  	[dreg:$0x5] =	wrdreg $0x83000  }
0xb3: {  	[dreg:$0x6] =	wrdreg $0x9  }
0xb4: {  	_ =	task.clear_ibuf [dreg:s8], $0x7FFFF;
	_ =	strace $0x90000046  }
0xb5: {  	s29 =	simm.s32 $0x9;
	_ =	strace $0x80000048  }
0xb6: {  	_ =	swait.ge [sflag:s29], $0x1  }
0xb7: {  	[sflag:s29] =	ssyncadd.s32 $0xFFFFFFFF  }
0xb8: {  	_ =	strace $0x90000048  }
0xb9: {  	_ =	sfence  }
0xba: {  	s30 =	sld [smem:$0x0];
	_ =	sdelay $0x2  }
0xbb: {  	s31 =	sshll.u32 s1, $0xD;
	s1 =	sshrl.u32 s1, $0x2  }
0xbc: {  	s3 =	sand.u32 $0x4000, s31;
	s1 =	sadd.s32 s1, s30  }
0xbd: {  	s0 =	sor.u32 s3, s0;
	s1 =	sshll.u32 s1, $0x11  }
0xbe: {  	s0 =	sor.u32 s1, s0  }
0xbf: {  	s0 =	sadd.s32 $0x8F2B, s0  }
0xc0: {  	[sflag:s0] =	ssyncadd.remote.s32 $0x1  }
0xc1: {  	_ =	sfence.sel $0xFFFF  }
0xc2: {  	[dreg:$0x0] =	wrdreg $0xFFFFFFFF;
	(pc) =	sbr.abs _section_cstart, $3  }
0xc3: {  	[dreg:$0x1] =	wrdreg $0xFFFFFFFF  }
0xc4: {  	_ =	task.clear_ibuf [dreg:s8], $0x2FFFF;
	_ =	strace $0x9FFFFFFF  }
0xc5: {  	(tm) =	ssettm $0x7FFFFFFF  }
tec
execute0_lowered:
.L_overlay_start_1:
0x0: {  	(tag) =	ssettag $0x1  }
0x1: {  	s3 =	rddreg [dreg:$0x0]  }
0x2: {  	s4 =	rddreg [dreg:$0x1]  }
0x3: {  	s5 =	rddreg [dreg:$0x2];
	s0 =	srdreg.scid  }
0x4: {  	s6 =	stileid.u32;
	s2 =	rddreg [dreg:$0x3];
	s1 =	simm.s32 $0x0  }
0x5: {  	s7 =	sand.u32 $0x1, s0;
	s8 =	sshll.u32 s6, $0x1;
	s0 =	rddreg [dreg:$0x4]  }
0x6: {  	[smem:$0x7FF] =	sst s1;
	s28 =	sshll.u32 s6, $0x7;
	p0 =	sne.s32 s6, $0x0  }
0x7: {  	s9 =	sor.u32 s7, s8;
	_ =	strace $0x80000047;
	s8 =	sadd.s32 $0x600, s4  }
0x8: {  	s13 =	sshrl.u32 @!p0 s2, $0x3;
	s14 =	simm.s32 @!p0 $0x1C01;
	s10 =	sshll.u32 s9, $0x5  }
0x9: {  	[spmem:s13], [sflag:s14] =	dma.local @!p0 [hbm:s8], $0x310  }
0xa: {  	s11 =	sand.u32 $0x400, s28;
	s10 =	sand.u32 $0x1E0, s10  }
0xb: {  	s29 =	sor.u32 s11, s10  }
0xc: {  	s12 =	sadd.s32 s3, s29  }
0xd: {  	[tilespmem:s1], [sflag:$0x2] =	stream.linear.gather [hbm4b:s12+s1], $0x100, $0x38;
	[tilespmem:$0x8488] =	vst v63  }
0xe: {  	s19 =	simm.s32 $0x100;
	s3 =	simm.s32 $0x2;
	s17 =	sadd.s32 $0x200, s12  }
0xf: {  	[tilespmem:s19], [sflag:$0x3] =	stream.linear.gather [hbm4b:s17+s1], $0x100, $0x38;
	[tilespmem:$0x8488] =	vst v63  }
0x10: {  	_ =	swait.ge [sflag:s3], $0x100  }
0x11: {  	[sflag:s3] =	ssyncset.done $0x0  }
0x12: {  	s4 =	simm.s32 $0x3;
	[sflag:s3] =	ssyncadd.s32 $0xFFFFFF00  }
0x13: {  	_ =	swait.ge [sflag:s4], $0x100  }
0x14: {  	[sflag:s4] =	ssyncset.done $0x0  }
0x15: {  	[sflag:s4] =	ssyncadd.s32 $0xFFFFFF00  }
0x16: {  	v1 =	vld [tilespmem:$0x1E0]  }
0x17: {  	v0 =	vld [tilespmem:$0x1C0]  }
0x18: {  	v3 =	vld [tilespmem:$0x1B0]  }
0x19: {  	v5 =	vld [tilespmem:$0xB0]  }
0x1a: {  	v2 =	vld [tilespmem:$0x1A0]  }
0x1b: {  	v4 =	vld [tilespmem:$0x190]  }
0x1c: {  	v9 =	vld [tilespmem:$0x180]  }
0x1d: {  	v8 =	vld [tilespmem:$0xA0]  }
0x1e: {  	v10 =	vld [tilespmem:$0x170]  }
0x1f: {  	v11 =	vld [tilespmem:$0x90]  }
0x20: {  	s30 =	ssub.s32 $0x2, s7;
	v7 =	vld [tilespmem:$0x150]  }
0x21: {  	s7 =	sshrl.u32 s30, $0x1;
	v13 =	vld [tilespmem:$0x70]  }
0x22: {  	s7 =	ssub.s32 s30, s7;
	v12 =	vld [tilespmem:$0x80]  }
0x23: {  	s31 =	smax.u32 s7, $0x1;
	v6 =	vld [tilespmem:$0x110]  }
0x24: {  	s20 =	sadd.s32 $0xFFFFFFFF, s31;
	v14 =	vld [tilespmem:$0x60];
	v8 =	vmul.u32 $0x7, v8  }
0x25: {  	p1 =	sne.s32 s20, $0x0;
	v15 =	vld [tilespmem:$0x50];
	v11 =	vmul.u32 $0x7, v11  }
.Ltmp0:
0x26: {  	v13 =	vmul.u32 $0x7, v13;
	v8 =	vadd.s32 v2, v8;
	v2 =	vld [tilespmem:$0x40];
	(pc) =	sbr.rel @!p1 .LBB2_2-.Ltmp0, $4  }
0x27: {  	s9 =	sshll.u32 s9, $0xC;
	v12 =	vmul.u32 $0x7, v12;
	v4 =	vadd.s32 v4, v11;
	v11 =	vld [tilespmem:$0x10];
	[tilespmem:$0x2A0] =	vst v8  }
0x28: {  	s15 =	simm.s32 $0x280;
	s18 =	simm.s32 $0x4;
	s5 =	sadd.s32 s5, s9;
	v10 =	vadd.s32 v10, v13;
	v8 =	vld [tilespmem:$0xF0];
	[tilespmem:$0x290] =	vst v4  }
0x29: {  	s16 =	simm.s32 $0x5;
	s9 =	simm.s32 $0x200;
	s6 =	sadd.s32 $0x800, s5;
	v4 =	vadd.s32 v9, v12;
	v9 =	vld [tilespmem:$0xE0];
	[tilespmem:$0x270] =	vst v10  }
0x2a: {  	s7 =	simm.s32 $0x80;
	s10 =	simm.s32 $0x300;
	s11 =	simm.s32 $0x4300;
	v12 =	vmul.u32 $0x7, v15;
	v10 =	vld [tilespmem:$0xC0];
	[tilespmem:$0x280] =	vst v4;
	v4 =	vmul.u32 $0x7, v14  }
.LBB2_1:
0x2b: {  	s20 =	sadd.s32 $0xFFFFFFFF, s20;
	v13 =	vld [tilespmem:$0x0]  }
0x2c: {  	v5 =	vmul.u32 $0x7, v5;
	p1 =	sne.s32 s20, $0x0;
	v7 =	vadd.s32 v7, v12;
	v12 =	vld [tilespmem:$0x1F0]  }
0x2d: {  	v11 =	vmul.u32 $0x7, v11;
	[tilespmem:$0x250] =	vst v7;
	v7 =	vld [tilespmem:$0xD0]  }
0x2e: {  	v3 =	vadd.s32 v3, v5;
	v14 =	vld [tilespmem:$0x100]  }
0x2f: {  	v5 =	vadd.s32 v6, v11;
	[tilespmem:$0x2B0] =	vst v3;
	v3 =	vld [tilespmem:$0x1D0];
	v6 =	vmul.u32 $0x7, v8  }
0x30: {  	v9 =	vmul.u32 $0x7, v9;
	v10 =	vmul.u32 $0x7, v10;
	v8 =	vmul.u32 $0x7, v13;
	[tilespmem:$0x210] =	vst v5;
	v5 =	vld [tilespmem:$0x20]  }
0x31: {  	v11 =	vld [tilespmem:$0x30];
	v6 =	vadd.s32 v12, v6  }
0x32: {  	v1 =	vadd.s32 v1, v9;
	v0 =	vadd.s32 v0, v10;
	v12 =	vld [tilespmem:$0x120];
	v7 =	vmul.u32 $0x7, v7;
	[tilespmem:$0x2F0] =	vst v6  }
0x33: {  	v6 =	vadd.s32 v14, v8;
	v8 =	vld [tilespmem:$0x130];
	[tilespmem:$0x2E0] =	vst v1  }
0x34: {  	[tilespmem:$0x200] =	vst v6;
	v1 =	vld [tilespmem:$0x160];
	v3 =	vadd.s32 v3, v7  }
0x35: {  	v5 =	vmul.u32 $0x7, v5;
	v6 =	vld [tilespmem:$0x140];
	[tilespmem:$0x2C0] =	vst v0  }
0x36: {  	v0 =	vmul.u32 $0x7, v11;
	[tilespmem:$0x2D0] =	vst v3  }
0x37: {  	v3 =	vadd.s32 v12, v5  }
0x38: {  	v2 =	vmul.u32 $0x7, v2;
	[tilespmem:$0x220] =	vst v3;
	v0 =	vadd.s32 v8, v0  }
0x39: {  	[tilespmem:$0x230] =	vst v0;
	v0 =	vadd.s32 v1, v4  }
0x3a: {  	v1 =	vadd.s32 v6, v2;
	[tilespmem:$0x260] =	vst v0  }
0x3b: {  	s21 =	simm.s32 @!p0 $0x1;
	[tilespmem:$0x240] =	vst v1  }
0x3c: {  	_ =	swait.ge @!p0 [sflag:s21], $0x310  }
0x3d: {  	[sflag:s21] =	ssyncset.done @!p0 $0x0  }
0x3e: {  	[sflag:s21] =	ssyncadd.s32 @!p0 $0xFFFFFCF0  }
0x3f: {  	[bflag:$0x0] =	sbarrier.arrive $0xFFFF  }
0x40: {  	[tilespmem:s10], [sflag:$0x4] =	stream.indirect.gather [spmem:s2], $0x80, s9, s7, $0xb8;
	[tilespmem:$0x8488] =	vst v63  }
0x41: {  	_ = 	snop  }
0x42: {  	[tilespmem:s11], [sflag:$0x5] =	stream.indirect.gather [spmem:s2], $0x80, s15, s7, $0xb8;
	[tilespmem:$0x8488] =	vst v63  }
0x43: {  	_ =	swait.ge [sflag:s18], $0x4000  }
0x44: {  	[sflag:s18] =	ssyncset.done $0x0  }
0x45: {  	[sflag:s18] =	ssyncadd.s32 $0xFFFFC000  }
0x46: {  	[hbm4b:s5+s1] =	stream.linear.scatter [tilespmem:s10], [sflag:$0x2], $0x4000, $0x38;
	[tilespmem:$0x8488] =	vst v63  }
0x47: {  	_ =	swait.ge [sflag:s16], $0x4000  }
0x48: {  	[sflag:s16] =	ssyncset.done $0x0  }
0x49: {  	[sflag:s16] =	ssyncadd.s32 $0xFFFFC000  }
0x4a: {  	[hbm4b:s6+s1] =	stream.linear.scatter [tilespmem:s11], [sflag:$0x3], $0x4000, $0x38;
	[tilespmem:$0x8488] =	vst v63  }
0x4b: {  	_ =	swait.ge [sflag:s3], $0x4000  }
0x4c: {  	[sflag:s3] =	ssyncset.done $0x0  }
0x4d: {  	[sflag:s3] =	ssyncadd.s32 $0xFFFFC000  }
0x4e: {  	_ =	swait.ge [sflag:s4], $0x4000  }
0x4f: {  	[sflag:s4] =	ssyncset.done $0x0  }
0x50: {  	[sflag:s4] =	ssyncadd.s32 $0xFFFFC000  }
0x51: {  	[spmem:s13], [sflag:s14] =	dma.local @!p0 [hbm:s8], $0x310  }
0x52: {  	[tilespmem:s1], [sflag:$0x2] =	stream.linear.gather [hbm4b:s12+s1], $0x100, $0x38;
	[tilespmem:$0x8488] =	vst v63  }
0x53: {  	_ = 	snop  }
0x54: {  	[tilespmem:s19], [sflag:$0x3] =	stream.linear.gather [hbm4b:s17+s1], $0x100, $0x38;
	[tilespmem:$0x8488] =	vst v63  }
0x55: {  	_ =	swait.ge [sflag:s3], $0x100  }
0x56: {  	[sflag:s3] =	ssyncset.done $0x0  }
0x57: {  	[sflag:s3] =	ssyncadd.s32 $0xFFFFFF00  }
0x58: {  	_ =	swait.ge [sflag:s4], $0x100  }
0x59: {  	[sflag:s4] =	ssyncset.done $0x0  }
0x5a: {  	[sflag:s4] =	ssyncadd.s32 $0xFFFFFF00  }
0x5b: {  	v1 =	vld [tilespmem:$0x1E0]  }
0x5c: {  	v0 =	vld [tilespmem:$0x1C0]  }
0x5d: {  	v3 =	vld [tilespmem:$0x1B0]  }
0x5e: {  	v5 =	vld [tilespmem:$0xB0]  }
0x5f: {  	v2 =	vld [tilespmem:$0x1A0]  }
0x60: {  	v4 =	vld [tilespmem:$0x190]  }
0x61: {  	v9 =	vld [tilespmem:$0x180]  }
0x62: {  	v6 =	vld [tilespmem:$0xA0]  }
0x63: {  	v10 =	vld [tilespmem:$0x170]  }
0x64: {  	v8 =	vld [tilespmem:$0x90]  }
0x65: {  	v7 =	vld [tilespmem:$0x150]  }
0x66: {  	v11 =	vld [tilespmem:$0x80]  }
0x67: {  	v12 =	vld [tilespmem:$0x70];
	v13 =	vmul.u32 $0x7, v6  }
0x68: {  	v6 =	vld [tilespmem:$0x110]  }
0x69: {  	v14 =	vld [tilespmem:$0x60];
	v8 =	vmul.u32 $0x7, v8;
	v2 =	vadd.s32 v2, v13  }
0x6a: {  	v13 =	vld [tilespmem:$0x50];
	[tilespmem:$0x2A0] =	vst v2  }
.Ltmp1:
0x6b: {  	v2 =	vld [tilespmem:$0x40];
	v15 =	vmul.u32 $0x7, v11;
	v4 =	vadd.s32 v4, v8;
	(pc) =	sbr.rel @p1 .LBB2_1-.Ltmp1, $4  }
0x6c: {  	v12 =	vmul.u32 $0x7, v12;
	[tilespmem:$0x290] =	vst v4;
	v8 =	vld [tilespmem:$0xF0]  }
0x6d: {  	v11 =	vld [tilespmem:$0x10];
	v9 =	vadd.s32 v9, v15  }
0x6e: {  	v4 =	vmul.u32 $0x7, v14;
	v10 =	vadd.s32 v10, v12;
	[tilespmem:$0x280] =	vst v9;
	v9 =	vld [tilespmem:$0xE0]  }
0x6f: {  	v12 =	vmul.u32 $0x7, v13;
	[tilespmem:$0x270] =	vst v10;
	v10 =	vld [tilespmem:$0xC0]  }
.LBB2_2:
0x70: {  	v13 =	vld [tilespmem:$0x0]  }
0x71: {  	v14 =	vld [tilespmem:$0x1F0]  }
0x72: {  	v15 =	vld [tilespmem:$0xD0]  }
0x73: {  	v5 =	vmul.u32 $0x7, v5;
	v16 =	vld [tilespmem:$0x100]  }
0x74: {  	v58 =	vld [tilespmem:$0x160];
	v7 =	vadd.s32 v7, v12;
	v11 =	vmul.u32 $0x7, v11  }
0x75: {  	v59 =	vld [tilespmem:$0x140];
	[tilespmem:$0x250] =	vst v7;
	v3 =	vadd.s32 v3, v5;
	v50 =	vmul.u32 $0x7, v8  }
0x76: {  	v49 =	vld [tilespmem:$0x1D0];
	[tilespmem:$0x2B0] =	vst v3;
	v52 =	vmul.u32 $0x7, v9;
	v6 =	vadd.s32 v6, v11  }
0x77: {  	v51 =	vld [tilespmem:$0x20];
	[tilespmem:$0x210] =	vst v6;
	v5 =	vadd.s32 v14, v50  }
0x78: {  	v53 =	vld [tilespmem:$0x30];
	v2 =	vmul.u32 $0x7, v2;
	v1 =	vadd.s32 v1, v52;
	[tilespmem:$0x2F0] =	vst v5  }
0x79: {  	v55 =	vld [tilespmem:$0x120];
	v10 =	vmul.u32 $0x7, v10;
	v62 =	vadd.s32 v58, v4;
	[tilespmem:$0x2E0] =	vst v1  }
0x7a: {  	v56 =	vld [tilespmem:$0x130];
	v54 =	vmul.u32 $0x7, v13;
	v63 =	vadd.s32 v59, v2;
	[tilespmem:$0x260] =	vst v62  }
0x7b: {  	v57 =	vmul.u32 $0x7, v15;
	v0 =	vadd.s32 v0, v10;
	[tilespmem:$0x240] =	vst v63  }
0x7c: {  	v7 =	vmul.u32 $0x7, v51;
	v9 =	vadd.s32 v16, v54;
	[tilespmem:$0x2C0] =	vst v0  }
0x7d: {  	v60 =	vmul.u32 $0x7, v53;
	v5 =	vadd.s32 v49, v57;
	[tilespmem:$0x200] =	vst v9  }
0x7e: {  	v61 =	vadd.s32 v55, v7;
	[tilespmem:$0x2D0] =	vst v5  }
0x7f: {  	v0 =	vadd.s32 v56, v60;
	[tilespmem:$0x220] =	vst v61  }
0x80: {  	s8 =	simm.s32 @!p0 $0x1;
	[tilespmem:$0x230] =	vst v0  }
0x81: {  	_ =	swait.ge @!p0 [sflag:s8], $0x310  }
0x82: {  	[sflag:s8] =	ssyncset.done @!p0 $0x0  }
0x83: {  	[sflag:s8] =	ssyncadd.s32 @!p0 $0xFFFFFCF0  }
0x84: {  	[bflag:$0x0] =	sbarrier.arrive $0xFFFF  }
0x85: {  	[tilespmem:s10], [sflag:$0x4] =	stream.indirect.gather [spmem:s2], $0x80, s9, s7, $0xb8;
	[tilespmem:$0x8488] =	vst v63  }
0x86: {  	_ = 	snop  }
0x87: {  	[tilespmem:s11], [sflag:$0x5] =	stream.indirect.gather [spmem:s2], $0x80, s15, s7, $0xb8;
	[tilespmem:$0x8488] =	vst v63  }
0x88: {  	_ =	swait.ge [sflag:s18], $0x4000  }
0x89: {  	[sflag:s18] =	ssyncset.done $0x0  }
0x8a: {  	[sflag:s18] =	ssyncadd.s32 $0xFFFFC000  }
0x8b: {  	[hbm4b:s5+s1] =	stream.linear.scatter [tilespmem:s10], [sflag:$0x2], $0x4000, $0x38;
	[tilespmem:$0x8488] =	vst v63  }
0x8c: {  	_ =	swait.ge [sflag:s16], $0x4000  }
0x8d: {  	[sflag:s16] =	ssyncset.done $0x0  }
0x8e: {  	[sflag:s16] =	ssyncadd.s32 $0xFFFFC000  }
0x8f: {  	[hbm4b:s6+s1] =	stream.linear.scatter [tilespmem:s11], [sflag:$0x3], $0x4000, $0x38;
	[tilespmem:$0x8488] =	vst v63  }
0x90: {  	_ =	swait.ge [sflag:s3], $0x4000  }
0x91: {  	[sflag:s3] =	ssyncset.done $0x0  }
0x92: {  	[sflag:s3] =	ssyncadd.s32 $0xFFFFC000  }
0x93: {  	_ =	swait.ge [sflag:s4], $0x4000  }
0x94: {  	[sflag:s4] =	ssyncset.done $0x0  }
0x95: {  	[sflag:s4] =	ssyncadd.s32 $0xFFFFC000  }
0x96: {  	_ =	sfence.sel $0x180000  }
0x97: {  	[bflag:$0x0] =	sbarrier.arrive $0xFFFF  }
0x98: {  	_ =	strace $0x90000047  }
0x99: {  	s0 =	sadd.s32 @!p0 $0x100000, s0;
	[bflag:$0x2] =	sbarrier.arrive $0xFFFF  }
0x9a: {  	[sflag:s0] =	ssyncadd.tile.s32 @!p0 $0x1;
	_ =	shalt  }
.Lfunc_end2:
_tile_overlayer_lowered:
.L_overlay_start_2:
0x9b: {  	(tag) =	ssettag $0x2  }
0x9c: {  	s0 =	rddreg [dreg:$0x0];
	s2 =	stileid.u32  }
0x9d: {  	s1 =	rddreg [dreg:$0x1];
	p0 =	sne.s32 s2, $0x0  }
0x9e: {  	s3 =	rddreg [dreg:$0x2];
	[bflag:$0x3] =	sbarrier.arrive $0xFFFF;
	s2 =	simm.s32 @!p0 $0x1C06  }
0x9f: {  	[timem:s3], [sflag:s2] =	dma.local @!p0 [hbm:s0], s1  }
0xa0: {  	s0 =	simm.s32 @!p0 $0x6  }
0xa1: {  	_ =	swait.ge @!p0 [sflag:s0], s1  }
0xa2: {  	s1 =	ssub.s32 @!p0 $0x0, s1;
	[sflag:s0] =	ssyncset.done @!p0 $0x0  }
0xa3: {  	[sflag:s0] =	ssyncadd.s32 @!p0 s1  }
0xa4: {  	[bflag:$0x3] =	sbarrier.arrive $0xFFFF  }
0xa5: {  	_ =	shalt  }

</sc_bundles>
